<compile_context>
chip_gen: v7x
topology: tpu7x:2x2x1
jax: 0.10.2.dev20260603
libtpu: 0.0.44.dev20260713+nightly
codegen_flags: <defaults>
</compile_context>

<pallas_src>
import functools

import jax
import jax.numpy as jnp
from jax import lax
from jax.experimental import pallas as pl
from jax.experimental.pallas import tpu as pltpu
from jax.experimental.pallas import tpu_sc as plsc

LANES = 16
ROWS_PER_CHUNK = 128


def _build_sc_call(T, V, D):
    info = plsc.get_sparse_core_info()
    NC, NS = info.num_cores, info.num_subcores
    NW = NC * NS
    assert T % (NW * LANES) == 0
    TPW = T // NW
    RPW = TPW * 6
    n_chunks = RPW // ROWS_PER_CHUNK
    assert RPW % ROWS_PER_CHUNK == 0
    n_groups = TPW // LANES

    mesh = plsc.VectorSubcoreMesh(core_axis_name="c", subcore_axis_name="s")

    @functools.partial(
        pl.kernel,
        mesh=mesh,
        out_type=jax.ShapeDtypeStruct((T * 6, D), jnp.float32),
        compiler_params=pltpu.CompilerParams(needs_layout_passes=False),
        scratch_types=[
            pltpu.VMEM((TPW * 4,), jnp.int32),
            pltpu.VMEM((RPW,), jnp.int32),
            pltpu.VMEM((ROWS_PER_CHUNK, D), jnp.float32),
            pltpu.SemaphoreType.DMA,
        ],
    )
    def sc_kernel(bbox_hbm, table_hbm, out_hbm, bbox_v, idx_v, rows_v, sem):
        wid = lax.axis_index("s") * NC + lax.axis_index("c")
        tok0 = wid * TPW
        row0 = wid * RPW

        pltpu.sync_copy(bbox_hbm.at[pl.ds(tok0 * 4, TPW * 4)], bbox_v)

        lane = lax.iota(jnp.int32, 16)

        def compute_group(g, carry):
            base4 = (g * LANES + lane) * 4
            x0 = plsc.load_gather(bbox_v, [base4])
            y0 = plsc.load_gather(bbox_v, [base4 + 1])
            x1 = plsc.load_gather(bbox_v, [base4 + 2])
            y1 = plsc.load_gather(bbox_v, [base4 + 3])
            base6 = (g * LANES + lane) * 6
            plsc.store_scatter(idx_v, [base6], x0)
            plsc.store_scatter(idx_v, [base6 + 1], y0 + V)
            plsc.store_scatter(idx_v, [base6 + 2], x1)
            plsc.store_scatter(idx_v, [base6 + 3], y1 + V)
            plsc.store_scatter(idx_v, [base6 + 4], (y1 - y0) + 2 * V)
            plsc.store_scatter(idx_v, [base6 + 5], (x1 - x0) + 3 * V)
            return carry

        lax.fori_loop(0, n_groups, compute_group, 0)

        def do_chunk(ci, carry):
            idx_slice = idx_v.at[pl.ds(ci * ROWS_PER_CHUNK, ROWS_PER_CHUNK)]
            pltpu.async_copy(table_hbm.at[idx_slice], rows_v, sem).wait()
            pltpu.sync_copy(
                rows_v,
                out_hbm.at[pl.ds(row0 + ci * ROWS_PER_CHUNK, ROWS_PER_CHUNK)],
            )
            return carry

        lax.fori_loop(0, n_chunks, do_chunk, 0)

    return sc_kernel


def kernel(bbox, x_tab, y_tab, h_tab, w_tab):
    B, N, _ = bbox.shape
    V, D = x_tab.shape
    T = B * N
    table = jnp.concatenate([x_tab, y_tab, h_tab, w_tab], axis=0)
    bbox_flat = bbox.reshape(T * 4)
    out = _build_sc_call(T, V, D)(bbox_flat, table)
    return out.reshape(B, N, 6 * D)

# --- scband reference (transcript-rebuilt; emitter-appended) ---
"""Pipeline reference for scband-layout-lmv2-embeddings-67430986547808 (READ-ONLY COPY).

The authoritative reference and input builder live on the scoring server;
editing this copy changes nothing except your own understanding.
"""

import jax, jax.numpy as jnp
import numpy as np

B, N = 4, 2048
MAX2D = 1024
COORD = 128

def setup_inputs(seed: int = 0) -> dict:
    key = jax.random.key(seed)
    k1, k2, k3, k4, k5 = jax.random.split(key, 5)
    # sorted along last dim guarantees bbox[...,2]>=bbox[...,0] and bbox[...,3]>=bbox[...,1]
    bbox = jnp.sort(jax.random.randint(k1, (B, N, 4), 0, MAX2D, dtype=jnp.int32), axis=-1)
    x_tab = jax.random.normal(k2, (MAX2D, COORD), dtype=jnp.float32)
    y_tab = jax.random.normal(k3, (MAX2D, COORD), dtype=jnp.float32)
    h_tab = jax.random.normal(k4, (MAX2D, COORD), dtype=jnp.float32)
    w_tab = jax.random.normal(k5, (MAX2D, COORD), dtype=jnp.float32)
    return {"bbox": bbox, "x_tab": x_tab, "y_tab": y_tab, "h_tab": h_tab, "w_tab": w_tab}

def reference(bbox, x_tab, y_tab, h_tab, w_tab):
    left_position_embeddings = jnp.take(x_tab, bbox[:, :, 0], axis=0)
    upper_position_embeddings = jnp.take(y_tab, bbox[:, :, 1], axis=0)
    right_position_embeddings = jnp.take(x_tab, bbox[:, :, 2], axis=0)
    lower_position_embeddings = jnp.take(y_tab, bbox[:, :, 3], axis=0)
    h_position_embeddings = jnp.take(h_tab, bbox[:, :, 3] - bbox[:, :, 1], axis=0)
    w_position_embeddings = jnp.take(w_tab, bbox[:, :, 2] - bbox[:, :, 0], axis=0)
    spatial_position_embeddings = jnp.concatenate([
        left_position_embeddings,
        upper_position_embeddings,
        right_position_embeddings,
        lower_position_embeddings,
        h_position_embeddings,
        w_position_embeddings,
    ], axis=-1)
    return spatial_position_embeddings

if __name__ == "__main__":
    import jax
    _d = setup_inputs()
    print(jax.jit(kernel)(*tuple(_d.values())))

</pallas_src>

<mosaic_0001>
#map = affine_map<(d0, d1) -> (0)>
#map1 = affine_map<(d0, d1) -> (0, 0)>
module attributes {stable_mosaic.version = 14 : i64} {
  func.func @sc_kernel(%arg0: i32, %arg1: i32, %arg2: memref<32768xi32, #tpu.memory_space<hbm>>, %arg3: memref<4096x128xf32, #tpu.memory_space<hbm>>, %arg4: memref<49152x128xf32, #tpu.memory_space<hbm>>, %arg5: memref<1024xi32, #tpu.memory_space<vmem>>, %arg6: memref<1536xi32, #tpu.memory_space<vmem>>, %arg7: memref<128x128xf32, #tpu.memory_space<vmem>>, %arg8: memref<!tpu.dma_semaphore, #tpu.memory_space<semaphore_mem>>) attributes {dimension_semantics = [#tpu.dimension_semantics<core_parallel>, #tpu.dimension_semantics<subcore_parallel>], iteration_bounds = array<i64: 2, 16>, scalar_prefetch = 0 : i64, scratch_operands = 4 : i64, tpu.core_type = #tpu.core_type<sc_vector_subcore>, window_params = [{transform_indices = #map}, {transform_indices = #map1}, {transform_indices = #map1}]} {
    %mul3A = arith.constant 2 : i32
    %mul3A_0 = arith.muli %arg1, %mul3A : i32
    %add3A = arith.addi %mul3A_0, %arg0 : i32
    %mul3A_1 = arith.constant 256 : i32
    %mul3A_2 = arith.muli %add3A, %mul3A_1 : i32
    %mul3A_3 = arith.constant 1536 : i32
    %mul3A_4 = arith.muli %add3A, %mul3A_3 : i32
    %mul3A_5 = arith.constant 4 : i32
    %mul3A_6 = arith.muli %mul3A_2, %mul3A_5 : i32
    "tpu.region"() ({
      %run_scoped3A = tpu.sem_alloc : memref<!tpu.dma_semaphore, #tpu.memory_space<semaphore_mem>>
      %dma_start3A = tpu.memref_slice %arg2[%mul3A_6] : memref<32768xi32, #tpu.memory_space<hbm>> -> memref<1024xi32, #tpu.memory_space<hbm>>
      %dma_start3A_18 = tpu.memref_slice %arg2[%mul3A_6] : memref<32768xi32, #tpu.memory_space<hbm>> -> memref<1024xi32, #tpu.memory_space<hbm>>
      tpu.enqueue_dma source(%dma_start3A_18 : memref<1024xi32, #tpu.memory_space<hbm>>) target(%arg5 : memref<1024xi32, #tpu.memory_space<vmem>>) target_semaphore(%run_scoped3A : memref<!tpu.dma_semaphore, #tpu.memory_space<semaphore_mem>>)
      %dma_wait3A = tpu.memref_slice %arg2[%mul3A_6] : memref<32768xi32, #tpu.memory_space<hbm>> -> memref<1024xi32, #tpu.memory_space<hbm>>
      %dma_wait3A_19 = tpu.memref_slice %arg2[%mul3A_6] : memref<32768xi32, #tpu.memory_space<hbm>> -> memref<1024xi32, #tpu.memory_space<hbm>>
      tpu.wait_dma2 semaphore(%run_scoped3A : memref<!tpu.dma_semaphore, #tpu.memory_space<semaphore_mem>>) src(%dma_wait3A_19 : memref<1024xi32, #tpu.memory_space<hbm>>) dst(%arg5 : memref<1024xi32, #tpu.memory_space<vmem>>)
      tpu.yield
    }) : () -> ()
    %iota3A = tpu.iota {dimensions = array<i32: 0>} : vector<16xi32>
    %scan3A = arith.constant 0 : i32
    %scan3A_7 = arith.constant 0 : i32
    %scan3A_8 = arith.constant 16 : i32
    %scan3A_9 = arith.addi %scan3A_7, %scan3A_8 : i32
    %scan3A_10 = arith.constant 1 : i32
    scf.for %scan3A_18 = %scan3A_7 to %scan3A_9 step %scan3A_10  : i32 {
      %mul3A_19 = arith.constant 16 : i32
      %mul3A_20 = arith.muli %scan3A_18, %mul3A_19 : i32
      %add3A_21 = vector.broadcast %mul3A_20 : i32 to vector<16xi32>
      %add3A_22 = arith.addi %add3A_21, %iota3A : vector<16xi32>
      %mul3A_23 = arith.constant 4 : i32
      %mul3A_24 = vector.broadcast %mul3A_23 : i32 to vector<16xi32>
      %mul3A_25 = arith.muli %add3A_22, %mul3A_24 : vector<16xi32>
      %gather3A = tpu.vector_load_idx %arg5[%mul3A_25] : memref<1024xi32, #tpu.memory_space<vmem>>[vector<16xi32>], vector<16xi32>,
      %add3A_26 = arith.constant 1 : i32
      %add3A_27 = vector.broadcast %add3A_26 : i32 to vector<16xi32>
      %add3A_28 = arith.addi %mul3A_25, %add3A_27 : vector<16xi32>
      %gather3A_29 = tpu.vector_load_idx %arg5[%add3A_28] : memref<1024xi32, #tpu.memory_space<vmem>>[vector<16xi32>], vector<16xi32>,
      %add3A_30 = arith.constant 2 : i32
      %add3A_31 = vector.broadcast %add3A_30 : i32 to vector<16xi32>
      %add3A_32 = arith.addi %mul3A_25, %add3A_31 : vector<16xi32>
      %gather3A_33 = tpu.vector_load_idx %arg5[%add3A_32] : memref<1024xi32, #tpu.memory_space<vmem>>[vector<16xi32>], vector<16xi32>,
      %add3A_34 = arith.constant 3 : i32
      %add3A_35 = vector.broadcast %add3A_34 : i32 to vector<16xi32>
      %add3A_36 = arith.addi %mul3A_25, %add3A_35 : vector<16xi32>
      %gather3A_37 = tpu.vector_load_idx %arg5[%add3A_36] : memref<1024xi32, #tpu.memory_space<vmem>>[vector<16xi32>], vector<16xi32>,
      %mul3A_38 = arith.constant 16 : i32
      %mul3A_39 = arith.muli %scan3A_18, %mul3A_38 : i32
      %add3A_40 = vector.broadcast %mul3A_39 : i32 to vector<16xi32>
      %add3A_41 = arith.addi %add3A_40, %iota3A : vector<16xi32>
      %mul3A_42 = arith.constant 6 : i32
      %mul3A_43 = vector.broadcast %mul3A_42 : i32 to vector<16xi32>
      %mul3A_44 = arith.muli %add3A_41, %mul3A_43 : vector<16xi32>
      tpu.vector_store_idx %arg6[%mul3A_44], %gather3A : memref<1536xi32, #tpu.memory_space<vmem>>[vector<16xi32>], vector<16xi32>,
      %add3A_45 = arith.constant 1 : i32
      %add3A_46 = vector.broadcast %add3A_45 : i32 to vector<16xi32>
      %add3A_47 = arith.addi %mul3A_44, %add3A_46 : vector<16xi32>
      %add3A_48 = arith.constant 1024 : i32
      %add3A_49 = vector.broadcast %add3A_48 : i32 to vector<16xi32>
      %add3A_50 = arith.addi %gather3A_29, %add3A_49 : vector<16xi32>
      tpu.vector_store_idx %arg6[%add3A_47], %add3A_50 : memref<1536xi32, #tpu.memory_space<vmem>>[vector<16xi32>], vector<16xi32>,
      %add3A_51 = arith.constant 2 : i32
      %add3A_52 = vector.broadcast %add3A_51 : i32 to vector<16xi32>
      %add3A_53 = arith.addi %mul3A_44, %add3A_52 : vector<16xi32>
      tpu.vector_store_idx %arg6[%add3A_53], %gather3A_33 : memref<1536xi32, #tpu.memory_space<vmem>>[vector<16xi32>], vector<16xi32>,
      %add3A_54 = arith.constant 3 : i32
      %add3A_55 = vector.broadcast %add3A_54 : i32 to vector<16xi32>
      %add3A_56 = arith.addi %mul3A_44, %add3A_55 : vector<16xi32>
      %add3A_57 = arith.constant 1024 : i32
      %add3A_58 = vector.broadcast %add3A_57 : i32 to vector<16xi32>
      %add3A_59 = arith.addi %gather3A_37, %add3A_58 : vector<16xi32>
      tpu.vector_store_idx %arg6[%add3A_56], %add3A_59 : memref<1536xi32, #tpu.memory_space<vmem>>[vector<16xi32>], vector<16xi32>,
      %add3A_60 = arith.constant 4 : i32
      %add3A_61 = vector.broadcast %add3A_60 : i32 to vector<16xi32>
      %add3A_62 = arith.addi %mul3A_44, %add3A_61 : vector<16xi32>
      %sub3A = arith.subi %gather3A_37, %gather3A_29 : vector<16xi32>
      %add3A_63 = arith.constant 2048 : i32
      %add3A_64 = vector.broadcast %add3A_63 : i32 to vector<16xi32>
      %add3A_65 = arith.addi %sub3A, %add3A_64 : vector<16xi32>
      tpu.vector_store_idx %arg6[%add3A_62], %add3A_65 : memref<1536xi32, #tpu.memory_space<vmem>>[vector<16xi32>], vector<16xi32>,
      %add3A_66 = arith.constant 5 : i32
      %add3A_67 = vector.broadcast %add3A_66 : i32 to vector<16xi32>
      %add3A_68 = arith.addi %mul3A_44, %add3A_67 : vector<16xi32>
      %sub3A_69 = arith.subi %gather3A_33, %gather3A : vector<16xi32>
      %add3A_70 = arith.constant 3072 : i32
      %add3A_71 = vector.broadcast %add3A_70 : i32 to vector<16xi32>
      %add3A_72 = arith.addi %sub3A_69, %add3A_71 : vector<16xi32>
      tpu.vector_store_idx %arg6[%add3A_68], %add3A_72 : memref<1536xi32, #tpu.memory_space<vmem>>[vector<16xi32>], vector<16xi32>,
    }
    %scan3A_11 = arith.constant 16 : i32
    %scan3A_12 = arith.constant 0 : i32
    %scan3A_13 = arith.constant 0 : i32
    %scan3A_14 = arith.constant 12 : i32
    %scan3A_15 = arith.addi %scan3A_13, %scan3A_14 : i32
    %scan3A_16 = arith.constant 1 : i32
    scf.for %scan3A_18 = %scan3A_13 to %scan3A_15 step %scan3A_16  : i32 {
      %mul3A_19 = arith.constant 128 : i32
      %mul3A_20 = arith.muli %scan3A_18, %mul3A_19 : i32
      %dma_start3A = tpu.memref_slice %arg6[%mul3A_20] : memref<1536xi32, #tpu.memory_space<vmem>> -> memref<128xi32, #tpu.memory_space<vmem>>
      %dma_start3A_21 = arith.constant 0 : i32
      %dma_start3A_22 = arith.constant 0 : i32
      %dma_start3A_23 = tpu.memref_slice %arg3[%dma_start3A_21, %dma_start3A_22] : memref<4096x128xf32, #tpu.memory_space<hbm>> -> memref<4096x128xf32, #tpu.memory_space<hbm>>
      tpu.enqueue_indirect_dma source(%dma_start3A_23 : memref<4096x128xf32, #tpu.memory_space<hbm>>) target(%arg7 : memref<128x128xf32, #tpu.memory_space<vmem>>) offsets(%dma_start3A : memref<128xi32, #tpu.memory_space<vmem>>) semaphore(%arg8 : memref<!tpu.dma_semaphore, #tpu.memory_space<semaphore_mem>>)
      %dma_wait3A = tpu.memref_slice %arg6[%mul3A_20] : memref<1536xi32, #tpu.memory_space<vmem>> -> memref<128xi32, #tpu.memory_space<vmem>>
      %dma_wait3A_24 = arith.constant 0 : i32
      %dma_wait3A_25 = arith.constant 0 : i32
      %dma_wait3A_26 = tpu.memref_slice %arg3[%dma_wait3A_24, %dma_wait3A_25] : memref<4096x128xf32, #tpu.memory_space<hbm>> -> memref<4096x128xf32, #tpu.memory_space<hbm>>
      tpu.wait_indirect_dma semaphore(%arg8 : memref<!tpu.dma_semaphore, #tpu.memory_space<semaphore_mem>>) src(%dma_wait3A_26 : memref<4096x128xf32, #tpu.memory_space<hbm>>) dst(%arg7 : memref<128x128xf32, #tpu.memory_space<vmem>>)
      %mul3A_27 = arith.constant 128 : i32
      %mul3A_28 = arith.muli %scan3A_18, %mul3A_27 : i32
      %add3A_29 = arith.addi %mul3A_4, %mul3A_28 : i32
      "tpu.region"() ({
        %run_scoped3A = tpu.sem_alloc : memref<!tpu.dma_semaphore, #tpu.memory_space<semaphore_mem>>
        %dma_start3A_30 = arith.constant 0 : i32
        %dma_start3A_31 = tpu.memref_slice %arg4[%add3A_29, %dma_start3A_30] : memref<49152x128xf32, #tpu.memory_space<hbm>> -> memref<128x128xf32, #tpu.memory_space<hbm>>
        %dma_start3A_32 = arith.constant 0 : i32
        %dma_start3A_33 = tpu.memref_slice %arg4[%add3A_29, %dma_start3A_32] : memref<49152x128xf32, #tpu.memory_space<hbm>> -> memref<128x128xf32, #tpu.memory_space<hbm>>
        tpu.enqueue_dma source(%arg7 : memref<128x128xf32, #tpu.memory_space<vmem>>) target(%dma_start3A_33 : memref<128x128xf32, #tpu.memory_space<hbm>>) target_semaphore(%run_scoped3A : memref<!tpu.dma_semaphore, #tpu.memory_space<semaphore_mem>>)
        %dma_wait3A_34 = arith.constant 0 : i32
        %dma_wait3A_35 = tpu.memref_slice %arg4[%add3A_29, %dma_wait3A_34] : memref<49152x128xf32, #tpu.memory_space<hbm>> -> memref<128x128xf32, #tpu.memory_space<hbm>>
        %dma_wait3A_36 = arith.constant 0 : i32
        %dma_wait3A_37 = tpu.memref_slice %arg4[%add3A_29, %dma_wait3A_36] : memref<49152x128xf32, #tpu.memory_space<hbm>> -> memref<128x128xf32, #tpu.memory_space<hbm>>
        tpu.wait_dma2 semaphore(%run_scoped3A : memref<!tpu.dma_semaphore, #tpu.memory_space<semaphore_mem>>) src(%arg7 : memref<128x128xf32, #tpu.memory_space<vmem>>) dst(%dma_wait3A_37 : memref<128x128xf32, #tpu.memory_space<hbm>>)
        tpu.yield
      }) : () -> ()
    }
    %scan3A_17 = arith.constant 12 : i32
    return
  }
}

</mosaic_0001>

<sc_bundles>
// kernel: kernel.3.cloned.1.call-start
scs
__scs_entry_jumppad:
0x0: {  	(pc) =	sbr.rel $0x88, $3  }
0x1: {  	(tag) =	ssettag $0x0;
	lr =	simm.s32 $0x1  }
0x2: {  	[smem:$0x3F9C] =	sst lr;
	_ =	strace $0xD0000000  }
0x3: {  	_ = 	snop  }
0x4: {  	_ = 	snop  }
0x5: {  	_ = 	snop  }
0x6: {  	_ = 	snop  }
0x7: {  	_ = 	snop  }
__scs_overlays_trampoline_lowered:
0x8: {  	[smem:$0x3FAB] =	sst s0  }
0x9: {  	[smem:$0x3FAC] =	sst s1  }
0xa: {  	[smem:$0x3FAD] =	sst s2  }
0xb: {  	[smem:$0x3FAE] =	sst s3  }
0xc: {  	[smem:$0x3FAF] =	sst s4  }
0xd: {  	[smem:$0x3FB0] =	sst s5  }
0xe: {  	[smem:$0x3FB1] =	sst s6  }
0xf: {  	[smem:$0x3FB2] =	sst s7  }
0x10: {  	[smem:$0x3FB3] =	sst s8  }
0x11: {  	[smem:$0x3FB4] =	sst s9;
	s0 =	simm.s32 @!p0 $0x0  }
0x12: {  	s1 =	sld [smem:$0x3F9A];
	s0 =	simm.s32 @p0 $0x1  }
0x13: {  	[smem:$0x3FB5] =	sst s0;
	s0 =	simm.s32 @!p1 $0x0  }
0x14: {  	s2 =	sld [smem:$0x3F99];
	s0 =	simm.s32 @p1 $0x1  }
0x15: {  	[smem:$0x3FB6] =	sst s0;
	s0 =	simm.s32 @!p2 $0x0  }
0x16: {  	s3 =	sld [smem:$0x3FDB];
	s0 =	simm.s32 @p2 $0x1  }
0x17: {  	s4 =	simm.s32 $0x1BF5;
	[smem:$0x3FB8] =	sst s0  }
0x18: {  	s0 =	sld [smem:$0x3F9B];
	_ =	swait.ge [sflag:s4], $0x0  }
0x19: {  	s7 =	sld [smem:$0x3F9C]  }
0x1a: {  	s8 =	sadd.s32 $0xFFFFE003, lr  }
0x1b: {  	s9 =	sadd.s32 $0xFFFFFEF7, lr;
	s5 =	simm.s32 $0xFFFFFFFF;
	p2 =	slt.u32 s8, $0xFFFFF086  }
0x1c: {  	p1 =	slt.u32 s9, $0xF7A;
	s5 =	simm.s32 @!p2 $0x0  }
0x1d: {  	s5 =	simm.s32 @p1 $0x1;
	p0 =	seq.s32 s7, s2  }
0x1e: {  	s7 =	smul.u32 @!p0 $0xF7A, s2;
	p2 =	seq.s32 @!p0 s5, $0x0  }
0x1f: {  	s9 =	smul.u32 $0xF7A, s1;
	s8 =	simm.s32 @!p0 $0x1BF5;
	p2 =	por !p2, p0  }
0x20: {  	[sflag:s8] =	ssyncset.s32 @!p0 $0xFFFFF086;
	s6 =	sadd.s32 @!p0 s3, s7;
	s7 =	simm.s32 @!p0 $0x108  }
0x21: {  	s3 =	sadd.s32 s3, s9;
	s6 =	sadd.s32 @!p0 $0x88, s6;
	s7 =	simm.s32 @p2 $0x1082  }
0x22: {  	[simem:s7], [sflag:s8] =	dma.local @!p0 [hbm:s6], $0xF7A  }
0x23: {  	s9 =	sor.u32 $0xD0000000, s2;
	s6 =	simm.s32 $0x108;
	_ =	swait.ge @!p0 [sflag:s8], $0x0  }
0x24: {  	s3 =	sadd.s32 $0x88, s3;
	s6 =	simm.s32 @!p1 $0x1082;
	[sflag:s4] =	ssyncset.s32 $0xFFFFF086  }
0x25: {  	[simem:s6], [sflag:s4] =	dma.local [hbm:s3], $0xF7A  }
0x26: {  	[smem:$0x3F9C] =	sst s1;
	(tag) =	ssettag s2;
	_ =	strace s9  }
0x27: {  	s1 =	sld [smem:$0x3FAC]  }
0x28: {  	s2 =	sld [smem:$0x3FAD]  }
0x29: {  	s4 =	sld [smem:$0x3FAF]  }
0x2a: {  	p0 =	seq.s32 s5, $0x0;
	s5 =	sld [smem:$0x3FB0]  }
0x2b: {  	s6 =	sld [smem:$0x3FB1]  }
0x2c: {  	s7 =	sld [smem:$0x3FB2]  }
0x2d: {  	s3 =	simm.s32 $0x108;
	s8 =	sld [smem:$0x3FB3]  }
0x2e: {  	s3 =	simm.s32 @!p0 $0x1082;
	s9 =	sld [smem:$0x3FB4]  }
0x2f: {  	lr =	sadd.s32 s0, s3;
	s0 =	sld [smem:$0x3FAB]  }
0x30: {  	s3 =	sld [smem:$0x3FAE]  }
0x31: {  	[smem:$0x3FB7] =	sst s10  }
0x32: {  	s10 =	sld [smem:$0x3FB5];
	_ =	sdelay $0x3  }
0x33: {  	p0 =	seq.s32 s10, $0x1;
	s10 =	sld [smem:$0x3FB7];
	_ =	sdelay $0x3  }
0x34: {  	[smem:$0x3FB7] =	sst s10  }
0x35: {  	s10 =	sld [smem:$0x3FB6];
	_ =	sdelay $0x3  }
0x36: {  	p1 =	seq.s32 s10, $0x1;
	s10 =	sld [smem:$0x3FB7];
	_ =	sdelay $0x3  }
0x37: {  	[smem:$0x3FB7] =	sst s10  }
0x38: {  	s10 =	sld [smem:$0x3FB8]  }
0x39: {  	_ = 	snop;
	(pc) =	sbr.ind lr, $3  }
0x3a: {  	_ = 	snop  }
0x3b: {  	_ = 	snop  }
0x3c: {  	p2 =	seq.s32 s10, $0x1;
	s10 =	sld [smem:$0x3FB7]  }
0x3d: {  	_ =	shalt  }
0x3e: {  	_ =	shalt  }
0x3f: {  	_ =	shalt  }
0x40: {  	_ =	shalt  }
0x41: {  	_ =	shalt  }
0x42: {  	_ =	shalt  }
0x43: {  	_ =	shalt  }
0x44: {  	_ =	shalt  }
0x45: {  	_ =	shalt  }
0x46: {  	_ =	shalt  }
0x47: {  	_ =	shalt  }
0x48: {  	_ =	shalt  }
0x49: {  	_ =	shalt  }
0x4a: {  	_ =	shalt  }
0x4b: {  	_ =	shalt  }
0x4c: {  	_ =	shalt  }
0x4d: {  	_ =	shalt  }
0x4e: {  	_ =	shalt  }
0x4f: {  	_ =	shalt  }
0x50: {  	_ =	shalt  }
0x51: {  	_ =	shalt  }
0x52: {  	_ =	shalt  }
0x53: {  	_ =	shalt  }
0x54: {  	_ =	shalt  }
0x55: {  	_ =	shalt  }
0x56: {  	_ =	shalt  }
0x57: {  	_ =	shalt  }
0x58: {  	_ =	shalt  }
0x59: {  	_ =	shalt  }
0x5a: {  	_ =	shalt  }
0x5b: {  	_ =	shalt  }
0x5c: {  	_ =	shalt  }
0x5d: {  	_ =	shalt  }
0x5e: {  	_ =	shalt  }
0x5f: {  	_ =	shalt  }
0x60: {  	_ =	shalt  }
0x61: {  	_ =	shalt  }
0x62: {  	_ =	shalt  }
0x63: {  	_ =	shalt  }
0x64: {  	_ =	shalt  }
0x65: {  	_ =	shalt  }
0x66: {  	_ =	shalt  }
0x67: {  	_ =	shalt  }
0x68: {  	_ =	shalt  }
0x69: {  	_ =	shalt  }
0x6a: {  	_ =	shalt  }
0x6b: {  	_ =	shalt  }
0x6c: {  	_ =	shalt  }
0x6d: {  	_ =	shalt  }
0x6e: {  	_ =	shalt  }
0x6f: {  	_ =	shalt  }
0x70: {  	_ =	shalt  }
0x71: {  	_ =	shalt  }
0x72: {  	_ =	shalt  }
0x73: {  	_ =	shalt  }
0x74: {  	_ =	shalt  }
0x75: {  	_ =	shalt  }
0x76: {  	_ =	shalt  }
0x77: {  	_ =	shalt  }
0x78: {  	_ =	shalt  }
0x79: {  	_ =	shalt  }
0x7a: {  	_ =	shalt  }
0x7b: {  	_ =	shalt  }
0x7c: {  	_ =	shalt  }
0x7d: {  	_ =	shalt  }
0x7e: {  	_ =	shalt  }
0x7f: {  	_ =	shalt  }
0x80: {  	_ =	shalt  }
0x81: {  	_ =	shalt  }
0x82: {  	_ =	shalt  }
0x83: {  	_ =	shalt  }
0x84: {  	_ =	shalt  }
0x85: {  	_ =	shalt  }
0x86: {  	_ =	shalt  }
0x87: {  	_ =	shalt  }
.Lfunc_end0:
.L_simem_size_0:
called_computation_lowered:
.L_overlay_start_0:
0x88: {  	s2 =	sld [smem:$0x3FD9]  }
0x89: {  	s3 =	sld [smem:$0x3FFE];
	_ =	sdelay $0x1  }
0x8a: {  	s1 =	srdreg.scid  }
0x8b: {  	s0 =	sand.u32 $0x1, s1  }
0x8c: {  	s17 =	sshll.u32 s0, $0xA;
	s2 =	sadd.s32 s3, s2  }
0x8d: {  	s2 =	sadd.s32 s2, s17  }
0x8e: {  	[smem:$0x3FC3] =	sst s2  }
0x8f: {  	_ = 	snop  }
0x90: {  	s2 =	sld [smem:$0x3FD0];
	(tm) =	ssettm $0x1  }
0x91: {  	s18 =	sld [smem:$0x3FFB];
	_ =	sdelay $0x3  }
0x92: {  	_ =	strace s18  }
0x93: {  	s3 =	sld [smem:$0x3FFC];
	_ =	sdelay $0x3  }
0x94: {  	_ =	strace s3  }
0x95: {  	s3 =	sld [smem:$0x3FFD];
	_ =	sdelay $0x3  }
0x96: {  	_ =	strace s3  }
0x97: {  	_ =	strace $0x8FFFFFFF  }
0x98: {  	s19 =	sld [smem:$0x3FDB];
	_ =	sdelay $0x1  }
0x99: {  	s4 =	simm.s32 $_scs_section_size  }
0x9a: {  	s5 =	simm.s32 $_size__tile_overlayer_lowered;
	s6 =	simm.s32 $_tile_overlayer_lowered  }
0x9b: {  	s22 =	simm.s32 $0x1BFF;
	s21 =	sshll.u32 s6, $0x1;
	s3 =	sadd.s32 s4, s19  }
0x9c: {  	s7 =	simm.s32 $0x0;
	s20 =	sshll.u32 s5, $0x1;
	s5 =	sadd.s32 s21, s3  }
0x9d: {  	[timem:s7], [sflag:s22] =	dma.local [hbm:s5], s20  }
0x9e: {  	_ =	swait.ge [sflag:s22], s20  }
0x9f: {  	s4 =	ssub.s32 $0x0, s20;
	[sflag:s22] =	ssyncset.done $0x0  }
0xa0: {  	[sflag:s22] =	ssyncadd.s32 s4;
	_ =	sdelay $0x1  }
0xa1: {  	s23 =	simm.s32 $0x1B8B  }
0xa2: {  	_ =	swait.ge [sflag:s23], $0x1  }
0xa3: {  	[sflag:s23] =	ssyncset.done $0x0  }
0xa4: {  	s25 =	simm.s32 $0x1B8E;
	s24 =	sld [smem:$0x3FFE];
	[sflag:s23] =	ssyncadd.s32 $0xFFFFFFFF  }
0xa5: {  	s26 =	simm.s32 $execute0_lowered;
	[smem:$0x3FD2] =	sst s25  }
0xa6: {  	s5 =	sshll.u32 s26, $0x1;
	_ =	strace $0x80000046;
	[dreg:$0x1] =	wrdreg $0xFFFFFFFF  }
0xa7: {  	s28 =	simm.s32 $_size_execute0_lowered;
	s3 =	sadd.s32 s3, s5;
	[dreg:$0x0] =	wrdreg $0x0  }
0xa8: {  	s5 =	sshll.u32 s28, $0x1;
	[dreg:$0x2] =	wrdreg s3  }
0xa9: {  	[dreg:$0x3] =	wrdreg s5  }
0xaa: {  	[dreg:$0x4] =	wrdreg $0xC0  }
0xab: {  	_ =	task [dreg:s7], $0x5FFFF  }
0xac: {  	[dreg:$0x1] =	wrdreg $0xFFFFFFFF  }
0xad: {  	[dreg:$0x0] =	wrdreg $0x60  }
0xae: {  	[dreg:$0x2] =	wrdreg s24  }
0xaf: {  	[dreg:$0x3] =	wrdreg s2  }
0xb0: {  	[dreg:$0x4] =	wrdreg $0x9  }
0xb1: {  	_ =	task.clear_ibuf [dreg:s7], $0x5FFFF;
	_ =	strace $0x90000046  }
0xb2: {  	s29 =	simm.s32 $0x9;
	_ =	strace $0x80000048  }
0xb3: {  	_ =	swait.ge [sflag:s29], $0x1  }
0xb4: {  	[sflag:s29] =	ssyncadd.s32 $0xFFFFFFFF  }
0xb5: {  	_ =	strace $0x90000048  }
0xb6: {  	_ =	sfence  }
0xb7: {  	s30 =	sld [smem:$0x0];
	_ =	sdelay $0x2  }
0xb8: {  	s31 =	sshll.u32 s1, $0xD;
	s1 =	sshrl.u32 s1, $0x2  }
0xb9: {  	s3 =	sand.u32 $0x4000, s31;
	s1 =	sadd.s32 s1, s30  }
0xba: {  	s0 =	sor.u32 s3, s0;
	s1 =	sshll.u32 s1, $0x11  }
0xbb: {  	s0 =	sor.u32 s1, s0  }
0xbc: {  	s0 =	sadd.s32 $0x8F2B, s0  }
0xbd: {  	[sflag:s0] =	ssyncadd.remote.s32 $0x1  }
0xbe: {  	_ =	sfence.sel $0xFFFF  }
0xbf: {  	[dreg:$0x0] =	wrdreg $0xFFFFFFFF;
	(pc) =	sbr.abs _section_cstart, $3  }
0xc0: {  	[dreg:$0x1] =	wrdreg $0xFFFFFFFF  }
0xc1: {  	_ =	task.clear_ibuf [dreg:s7], $0x2FFFF;
	_ =	strace $0x9FFFFFFF  }
0xc2: {  	(tm) =	ssettm $0x7FFFFFFF  }
0xc3: {  	_ =	shalt  }
tec
execute0_lowered:
.L_overlay_start_1:
0x0: {  	(tag) =	ssettag $0x1  }
0x1: {  	s4 =	rddreg [dreg:$0x0]  }
0x2: {  	s2 =	rddreg [dreg:$0x1]  }
0x3: {  	s0 =	rddreg [dreg:$0x2]  }
0x4: {  	s5 =	srdreg.scid;
	s1 =	stileid.u32;
	s3 =	simm.s32 $0x0  }
0x5: {  	s10 =	simm.s32 $0xA00;
	s11 =	simm.s32 $0x1;
	s12 =	simm.s32 $0x0  }
0x6: {  	s5 =	sand.u32 $0x1, s5;
	s6 =	smul.u32 $0x60000, s1;
	[smem:$0x7FF] =	sst s3  }
0x7: {  	s8 =	sshll.u32 s1, $0x8;
	s7 =	smul.u32 $0x30000, s5;
	s9 =	sshll.u32 s5, $0x7  }
0x8: {  	_ =	strace $0x80000047;
	s5 =	ssub.s32 $0x2, s5;
	s30 =	sor.u32 s9, s8  }
0x9: {  	s31 =	sshrl.u32 s5, $0x1;
	s8 =	simm.s32 $0x400;
	s6 =	sadd.s32 s7, s6  }
0xa: {  	s9 =	simm.s32 $0x80;
	s5 =	ssub.s32 s5, s31;
	s6 =	sshrl.u32 s6, $0x3  }
0xb: {  	s7 =	sadd.s32 s30, s4;
	s5 =	smax.u32 s5, $0x1;
	s6 =	sadd.s32 s6, s4  }
0xc: {  	v0 =	vlaneseq.u32;
	s4 =	sadd.s32 $0xC00, s7;
	s7 =	simm.s32 $0x2;
	s6 =	sadd.s32 $0x1C00, s6  }
.LBB2_1:
0xd: {  	v1 =	vor.u32 s3, v0  }
0xe: {  	v2 =	vshll.u32 v1, $0x2  }
0xf: {  	[tilespmem:s3], [sflag:$0x2] =	stream.linear.gather [hbm4b:s4+s3], $0x400, $0x38;
	v3 =	vor.u32 $0x1, v2;
	[tilespmem:$0x4A00] =	vst v63  }
0x10: {  	_ =	swait.ge [sflag:s7], $0x400;
	v4 =	vor.u32 $0x3, v2  }
0x11: {  	[sflag:s7] =	ssyncset.done $0x0;
	v5 =	vor.u32 $0x2, v2  }
0x12: {  	[sflag:s7] =	ssyncadd.s32 $0xFFFFFC00  }
0x13: {  	v6 =	vld.idx.msk [tilespmem:v2+s3+$0x0], $0xffff;
	v2 =	vmul.u32 $0x6, v1  }
0x14: {  	v7 =	vld.idx.msk [tilespmem:v3+s3+$0x0], $0xffff  }
0x15: {  	v4 =	vld.idx.msk [tilespmem:v4+s3+$0x0], $0xffff;
	v8 =	vor.u32 $0x1, v2  }
0x16: {  	v9 =	vld.idx.msk [tilespmem:v5+s3+$0x0], $0xffff;
	v5 =	vadd.s32 $0x2, v2  }
0x17: {  	v10 =	vadd.s32 $0x3, v2  }
0x18: {  	v11 =	vadd.s32 $0x4, v2  }
0x19: {  	s13 =	simm.s32 $0x10;
	[tilespmem:v2+s8+$0x0] =	vst.idx.msk $0xffff, v6;
	v12 =	vadd.s32 $0x400, v7  }
0x1a: {  	v1 =	vor.u32 s13, v0;
	v3 =	vadd.s32 $0x5, v2;
	[tilespmem:v8+s8+$0x0] =	vst.idx.msk $0xffff, v12  }
0x1b: {  	v2 =	vshll.u32 v1, $0x2;
	v8 =	vadd.s32 $0x400, v4;
	v4 =	vsub.s32 v4, v7;
	[tilespmem:v5+s8+$0x0] =	vst.idx.msk $0xffff, v9  }
0x1c: {  	v5 =	vor.u32 $0x1, v2;
	v7 =	vadd.s32 $0x800, v4;
	[tilespmem:v10+s8+$0x0] =	vst.idx.msk $0xffff, v8;
	v8 =	vsub.s32 v9, v6  }
0x1d: {  	s14 =	simm.s32 $0x20;
	s13 =	simm.s32 $0x0;
	v4 =	vor.u32 $0x2, v2;
	v6 =	vor.u32 $0x3, v2;
	[tilespmem:v11+s8+$0x0] =	vst.idx.msk $0xffff, v7;
	v7 =	vadd.s32 $0xC00, v8  }
.LBB2_2:
0x1e: {  	s15 =	simm.s32 $0x0  }
0x1f: {  	p0 =	sne.s32 s14, $0xF0;
	[tilespmem:v3+s8+$0x0] =	vst.idx.msk $0xffff, v7;
	s16 =	smov.u32 s14;
	s14 =	sadd.s32 $0x10, s14  }
0x20: {  	v7 =	vld.idx.msk [tilespmem:v2+s13+$0x0], $0xffff  }
0x21: {  	v2 =	vmul.u32 $0x6, v1;
	v5 =	vld.idx.msk [tilespmem:v5+s13+$0x0], $0xffff  }
0x22: {  	v6 =	vld.idx.msk [tilespmem:v6+s13+$0x0], $0xffff  }
0x23: {  	v8 =	vld.idx.msk [tilespmem:v4+s13+$0x0], $0xffff;
	v4 =	vor.u32 $0x1, v2;
	s13 =	smov.u32 s15  }
0x24: {  	v9 =	vadd.s32 $0x2, v2  }
0x25: {  	v10 =	vadd.s32 $0x3, v2  }
0x26: {  	v11 =	vadd.s32 $0x4, v2  }
.Ltmp0:
0x27: {  	v1 =	vor.u32 s16, v0;
	v3 =	vadd.s32 $0x5, v2;
	v12 =	vadd.s32 $0x400, v5;
	[tilespmem:v2+s8+$0x0] =	vst.idx.msk $0xffff, v7;
	(pc) =	sbr.rel @p0 .LBB2_2-.Ltmp0, $4  }
0x28: {  	v2 =	vshll.u32 v1, $0x2;
	v13 =	vsub.s32 v6, v5;
	[tilespmem:v4+s8+$0x0] =	vst.idx.msk $0xffff, v12;
	v12 =	vadd.s32 $0x400, v6  }
0x29: {  	v5 =	vor.u32 $0x1, v2;
	v4 =	vor.u32 $0x2, v2;
	v6 =	vor.u32 $0x3, v2;
	[tilespmem:v9+s8+$0x0] =	vst.idx.msk $0xffff, v8  }
0x2a: {  	v7 =	vsub.s32 v8, v7;
	v9 =	vadd.s32 $0x800, v13;
	[tilespmem:v10+s8+$0x0] =	vst.idx.msk $0xffff, v12  }
0x2b: {  	v7 =	vadd.s32 $0xC00, v7;
	[tilespmem:v11+s8+$0x0] =	vst.idx.msk $0xffff, v9  }
0x2c: {  	_ =	sdelay $0x3  }
0x2d: {  	[tilespmem:v3+s8+$0x0] =	vst.idx.msk $0xffff, v7  }
0x2e: {  	v1 =	vmul.u32 $0x6, v1;
	v2 =	vld.idx.msk [tilespmem:v2+s13+$0x0], $0xffff  }
0x2f: {  	v3 =	vld.idx.msk [tilespmem:v5+s13+$0x0], $0xffff  }
0x30: {  	v60 =	vld.idx.msk [tilespmem:v6+s13+$0x0], $0xffff;
	v61 =	vor.u32 $0x1, v1  }
0x31: {  	v4 =	vld.idx.msk [tilespmem:v4+s13+$0x0], $0xffff;
	v62 =	vadd.s32 $0x2, v1  }
0x32: {  	v8 =	vadd.s32 $0x3, v1  }
0x33: {  	v9 =	vadd.s32 $0x4, v1  }
0x34: {  	[tilespmem:v1+s8+$0x0] =	vst.idx.msk $0xffff, v2;
	v10 =	vadd.s32 $0x400, v3;
	v1 =	vadd.s32 $0x5, v1  }
0x35: {  	[tilespmem:v61+s8+$0x0] =	vst.idx.msk $0xffff, v10  }
0x36: {  	v63 =	vadd.s32 $0x400, v60;
	v3 =	vsub.s32 v60, v3;
	[tilespmem:v62+s8+$0x0] =	vst.idx.msk $0xffff, v4  }
0x37: {  	v2 =	vsub.s32 v4, v2;
	v3 =	vadd.s32 $0x800, v3;
	[tilespmem:v8+s8+$0x0] =	vst.idx.msk $0xffff, v63  }
0x38: {  	v2 =	vadd.s32 $0xC00, v2;
	[tilespmem:v9+s8+$0x0] =	vst.idx.msk $0xffff, v3  }
0x39: {  	s31 =	simm.s32 $0x400;
	[tilespmem:v1+s8+$0x0] =	vst.idx.msk $0xffff, v2  }
0x3a: {  	[tilespmem:s10], [sflag:$0x1] =	stream.indirect.gather [hbm4b:s2+s9], $0x80, s31, s9, $0xb8;
	[tilespmem:$0x4A00] =	vst v63  }
0x3b: {  	_ =	swait.ge [sflag:s11], $0x4000  }
0x3c: {  	[sflag:s11] =	ssyncset.done $0x0  }
0x3d: {  	[sflag:s11] =	ssyncadd.s32 $0xFFFFC000  }
0x3e: {  	[hbm4b:s6+s3] =	stream.linear.scatter [tilespmem:s10], [sflag:$0x2], $0x4000, $0x38;
	[tilespmem:$0x4A00] =	vst v63  }
0x3f: {  	s14 =	simm.s32 $0x400;
	_ =	swait.ge [sflag:s7], $0x4000  }
0x40: {  	s15 =	simm.s32 $0x80;
	s13 =	sadd.s32 $0x800, s6;
	[sflag:s7] =	ssyncset.done $0x0  }
.LBB2_4:
0x41: {  	s15 =	sadd.s32 $0x400, s15  }
0x42: {  	[sflag:s7] =	ssyncadd.s32 $0xFFFFC000;
	s16 =	smov.u32 s14;
	s17 =	sadd.s32 $0x200, s14  }
0x43: {  	[tilespmem:s10], [sflag:$0x1] =	stream.indirect.gather [hbm4b:s2+s9], $0x80, s15, s9, $0xb8;
	[tilespmem:$0x4A00] =	vst v63  }
0x44: {  	p0 =	sne.s32 s14, $0x1600;
	_ =	swait.ge [sflag:s11], $0x4000  }
.Ltmp1:
0x45: {  	[sflag:s11] =	ssyncset.done $0x0;
	(pc) =	sbr.rel @p0 .LBB2_4-.Ltmp1, $4  }
0x46: {  	[sflag:s11] =	ssyncadd.s32 $0xFFFFC000  }
0x47: {  	[hbm4b:s13+s3] =	stream.linear.scatter [tilespmem:s10], [sflag:$0x2], $0x4000, $0x38;
	[tilespmem:$0x4A00] =	vst v63  }
0x48: {  	s15 =	sshra.s32 s16, $0x2;
	_ =	swait.ge [sflag:s7], $0x4000  }
0x49: {  	s14 =	smov.u32 s17;
	s13 =	sadd.s32 $0x800, s13;
	[sflag:s7] =	ssyncset.done $0x0  }
0x4a: {  	s14 =	sadd.s32 $0x400, s15;
	[sflag:s7] =	ssyncadd.s32 $0xFFFFC000  }
0x4b: {  	[tilespmem:s10], [sflag:$0x1] =	stream.indirect.gather [hbm4b:s2+s9], $0x80, s14, s9, $0xb8;
	[tilespmem:$0x4A00] =	vst v63  }
0x4c: {  	s12 =	sadd.s32 $0x1, s12;
	_ =	swait.ge [sflag:s11], $0x4000  }
0x4d: {  	p0 =	sne.s32 s12, s5;
	[sflag:s11] =	ssyncset.done $0x0  }
.Ltmp2:
0x4e: {  	[sflag:s11] =	ssyncadd.s32 $0xFFFFC000;
	(pc) =	sbr.rel @p0 .LBB2_1-.Ltmp2, $4  }
0x4f: {  	[hbm4b:s13+s3] =	stream.linear.scatter [tilespmem:s10], [sflag:$0x2], $0x4000, $0x38;
	[tilespmem:$0x4A00] =	vst v63  }
0x50: {  	_ =	swait.ge [sflag:s7], $0x4000  }
0x51: {  	[sflag:s7] =	ssyncset.done $0x0  }
0x52: {  	[sflag:s7] =	ssyncadd.s32 $0xFFFFC000  }
0x53: {  	_ =	sfence.sel $0x180000  }
0x54: {  	[bflag:$0x0] =	sbarrier.arrive $0xFFFF  }
0x55: {  	p0 =	sne.s32 s1, $0x0;
	_ =	strace $0x90000047  }
0x56: {  	s0 =	sadd.s32 @!p0 $0x100000, s0;
	[bflag:$0x2] =	sbarrier.arrive $0xFFFF  }
0x57: {  	[sflag:s0] =	ssyncadd.tile.s32 @!p0 $0x1;
	_ =	shalt  }
.Lfunc_end2:
_tile_overlayer_lowered:
.L_overlay_start_2:
0x58: {  	(tag) =	ssettag $0x2  }
0x59: {  	s0 =	rddreg [dreg:$0x0];
	s2 =	stileid.u32  }
0x5a: {  	s1 =	rddreg [dreg:$0x1];
	p0 =	sne.s32 s2, $0x0  }
0x5b: {  	s3 =	rddreg [dreg:$0x2];
	[bflag:$0x3] =	sbarrier.arrive $0xFFFF;
	s2 =	simm.s32 @!p0 $0x1C02  }
0x5c: {  	[timem:s3], [sflag:s2] =	dma.local @!p0 [hbm:s0], s1  }
0x5d: {  	s0 =	simm.s32 @!p0 $0x2  }
0x5e: {  	_ =	swait.ge @!p0 [sflag:s0], s1  }
0x5f: {  	s1 =	ssub.s32 @!p0 $0x0, s1;
	[sflag:s0] =	ssyncset.done @!p0 $0x0  }
0x60: {  	[sflag:s0] =	ssyncadd.s32 @!p0 s1  }
0x61: {  	[bflag:$0x3] =	sbarrier.arrive $0xFFFF  }
0x62: {  	_ =	shalt  }

</sc_bundles>
